<compile_context>
chip_gen: v7x
topology: tpu7x:2x2x1
jax: 0.10.2.dev20260603
libtpu: 0.0.44.dev20260713+nightly
codegen_flags: <defaults>
</compile_context>

<pallas_src>
import functools

import jax
import jax.numpy as jnp
from jax import lax
from jax.experimental import pallas as pl
from jax.experimental.pallas import tpu as pltpu
from jax.experimental.pallas import tpu_sc as plsc

NC, NS, L = 1, 16, 16
NW = NC * NS
B = 16384
BPW = B // NW
NV = BPW // L
U_ROWS, I_ROWS, D = 1500, 2000, 3

_mesh = plsc.VectorSubcoreMesh(core_axis_name="c", subcore_axis_name="s", num_cores=1)


@functools.partial(
    pl.kernel,
    out_type=jax.ShapeDtypeStruct((B,), jnp.float32),
    mesh=_mesh,
    scratch_types=[
        pltpu.VMEM((2, BPW), jnp.int32),
        pltpu.VMEM((U_ROWS * D,), jnp.float32),
        pltpu.VMEM((I_ROWS * D,), jnp.float32),
        pltpu.VMEM((BPW,), jnp.float32),
        pltpu.SemaphoreType.DMA,
    ],
    compiler_params=pltpu.CompilerParams(
        needs_layout_passes=False, skip_device_barrier=True),
)
def _mf_kernel(data_hbm, utab_hbm, itab_hbm, out_hbm,
               idx_v, utab_v, itab_v, out_v, sem):
    wid = lax.axis_index("s") * NC + lax.axis_index("c")
    base = wid * BPW

    c1 = pltpu.make_async_copy(data_hbm.at[:, pl.ds(base, BPW)], idx_v, sem)
    c2 = pltpu.make_async_copy(utab_hbm, utab_v, sem)
    c3 = pltpu.make_async_copy(itab_hbm, itab_v, sem)
    c1.start()
    c2.start()
    c3.start()
    c1.wait()
    c2.wait()
    c3.wait()

    three = jnp.full((L,), D, jnp.int32)

    def body(i):
        off = i * L
        ub = idx_v[0, pl.ds(off, L)] * three
        vb = idx_v[1, pl.ds(off, L)] * three
        acc = None
        for d in range(D):
            uu = plsc.load_gather(utab_v, [ub + d])
            vv = plsc.load_gather(itab_v, [vb + d])
            prod = uu * vv
            acc = prod if acc is None else acc + prod
        out_v[pl.ds(off, L)] = acc

    plsc.parallel_loop(0, NV, unroll=2)(body)
    pltpu.sync_copy(out_v, out_hbm.at[pl.ds(base, BPW)])


def kernel(data, user_factors, item_factors):
    data = data.astype(jnp.int32)
    return _mf_kernel(data,
                      user_factors.reshape(-1), item_factors.reshape(-1))

# --- scband reference (transcript-rebuilt; emitter-appended) ---
"""Pipeline reference for scband-matrix-factorization-35304631174095 (READ-ONLY COPY).

The authoritative reference and input builder live on the scoring server;
editing this copy changes nothing except your own understanding.
"""

import jax, jax.numpy as jnp
import numpy as np

def setup_inputs(seed: int = 0) -> dict:
    key = jax.random.key(seed)
    k1, k2, k3 = jax.random.split(key, 3)
    data = jax.random.randint(k1, (2, 16384), 0, 1500, dtype=jnp.int64)
    user_factors = jax.random.normal(k2, (1500, 3), dtype=jnp.float32)
    item_factors = jax.random.normal(k3, (2000, 3), dtype=jnp.float32)
    return {"data": data, "user_factors": user_factors, "item_factors": item_factors}

def reference(data, user_factors, item_factors):
    user = data[0]
    item = data[1]
    u = jnp.take(user_factors, user, axis=0)
    v = jnp.take(item_factors, item, axis=0)
    return (u * v).sum(1)

if __name__ == "__main__":
    import jax
    _d = setup_inputs()
    print(jax.jit(kernel)(*tuple(_d.values())))

</pallas_src>

<mosaic_0001>
#map = affine_map<(d0, d1) -> (0, 0)>
#map1 = affine_map<(d0, d1) -> (0)>
module attributes {stable_mosaic.version = 14 : i64} {
  func.func @_mf_kernel(%arg0: i32, %arg1: i32, %arg2: memref<2x16384xi32, #tpu.memory_space<hbm>>, %arg3: memref<4500xf32, #tpu.memory_space<hbm>>, %arg4: memref<6000xf32, #tpu.memory_space<hbm>>, %arg5: memref<16384xf32, #tpu.memory_space<hbm>>, %arg6: memref<2x1024xi32, #tpu.memory_space<vmem>>, %arg7: memref<4500xf32, #tpu.memory_space<vmem>>, %arg8: memref<6000xf32, #tpu.memory_space<vmem>>, %arg9: memref<1024xf32, #tpu.memory_space<vmem>>, %arg10: memref<!tpu.dma_semaphore, #tpu.memory_space<semaphore_mem>>) attributes {dimension_semantics = [#tpu.dimension_semantics<core_parallel>, #tpu.dimension_semantics<subcore_parallel>], iteration_bounds = array<i64: 1, 16>, scalar_prefetch = 0 : i64, scratch_operands = 5 : i64, tpu.core_type = #tpu.core_type<sc_vector_subcore>, window_params = [{transform_indices = #map}, {transform_indices = #map1}, {transform_indices = #map1}, {transform_indices = #map1}]} {
    %mul3A = arith.constant 1 : i32
    %mul3A_0 = arith.muli %arg1, %mul3A : i32
    %add3A = arith.addi %mul3A_0, %arg0 : i32
    %mul3A_1 = arith.constant 1024 : i32
    %mul3A_2 = arith.muli %add3A, %mul3A_1 : i32
    %dma_start3A = arith.constant 0 : i32
    %dma_start3A_3 = tpu.memref_slice %arg2[%dma_start3A, %mul3A_2] : memref<2x16384xi32, #tpu.memory_space<hbm>> -> memref<2x1024xi32, #tpu.memory_space<hbm>>
    %dma_start3A_4 = arith.constant 0 : i32
    %dma_start3A_5 = tpu.memref_slice %arg2[%dma_start3A_4, %mul3A_2] : memref<2x16384xi32, #tpu.memory_space<hbm>> -> memref<2x1024xi32, #tpu.memory_space<hbm>>
    tpu.enqueue_dma source(%dma_start3A_5 : memref<2x1024xi32, #tpu.memory_space<hbm>>) target(%arg6 : memref<2x1024xi32, #tpu.memory_space<vmem>>) target_semaphore(%arg10 : memref<!tpu.dma_semaphore, #tpu.memory_space<semaphore_mem>>)
    tpu.enqueue_dma source(%arg3 : memref<4500xf32, #tpu.memory_space<hbm>>) target(%arg7 : memref<4500xf32, #tpu.memory_space<vmem>>) target_semaphore(%arg10 : memref<!tpu.dma_semaphore, #tpu.memory_space<semaphore_mem>>)
    tpu.enqueue_dma source(%arg4 : memref<6000xf32, #tpu.memory_space<hbm>>) target(%arg8 : memref<6000xf32, #tpu.memory_space<vmem>>) target_semaphore(%arg10 : memref<!tpu.dma_semaphore, #tpu.memory_space<semaphore_mem>>)
    %dma_wait3A = arith.constant 0 : i32
    %dma_wait3A_6 = tpu.memref_slice %arg2[%dma_wait3A, %mul3A_2] : memref<2x16384xi32, #tpu.memory_space<hbm>> -> memref<2x1024xi32, #tpu.memory_space<hbm>>
    %dma_wait3A_7 = arith.constant 0 : i32
    %dma_wait3A_8 = tpu.memref_slice %arg2[%dma_wait3A_7, %mul3A_2] : memref<2x16384xi32, #tpu.memory_space<hbm>> -> memref<2x1024xi32, #tpu.memory_space<hbm>>
    tpu.wait_dma2 semaphore(%arg10 : memref<!tpu.dma_semaphore, #tpu.memory_space<semaphore_mem>>) src(%dma_wait3A_8 : memref<2x1024xi32, #tpu.memory_space<hbm>>) dst(%arg6 : memref<2x1024xi32, #tpu.memory_space<vmem>>)
    tpu.wait_dma2 semaphore(%arg10 : memref<!tpu.dma_semaphore, #tpu.memory_space<semaphore_mem>>) src(%arg3 : memref<4500xf32, #tpu.memory_space<hbm>>) dst(%arg7 : memref<4500xf32, #tpu.memory_space<vmem>>)
    tpu.wait_dma2 semaphore(%arg10 : memref<!tpu.dma_semaphore, #tpu.memory_space<semaphore_mem>>) src(%arg4 : memref<6000xf32, #tpu.memory_space<hbm>>) dst(%arg8 : memref<6000xf32, #tpu.memory_space<vmem>>)
    %broadcast_in_dim3A = arith.constant 3 : i32
    %broadcast_in_dim3A_9 = vector.broadcast %broadcast_in_dim3A : i32 to vector<16xi32>
    %parallel_loop3A = arith.constant 0 : i32
    %parallel_loop3A_10 = arith.constant 64 : i32
    %parallel_loop3A_11 = arith.constant 1 : i32
    scf.for %parallel_loop3A_12 = %parallel_loop3A to %parallel_loop3A_10 step %parallel_loop3A_11  : i32 {
      %parallel_loop3A_13 = arith.constant 16 : i32
      %parallel_loop3A_14 = arith.muli %parallel_loop3A_12, %parallel_loop3A_13 : i32
      %parallel_loop3A_15 = arith.constant 0 : i32
      %parallel_loop3A_16 = arith.index_cast %parallel_loop3A_15 : i32 to index
      %parallel_loop3A_17 = arith.index_cast %parallel_loop3A_14 : i32 to index
      %parallel_loop3A_18 = tpu.vector_load %arg6[%parallel_loop3A_16, %parallel_loop3A_17] {strides = array<i32>} : memref<2x1024xi32, #tpu.memory_space<vmem>>, vector<16xi32>,
      %parallel_loop3A_19 = arith.muli %parallel_loop3A_18, %broadcast_in_dim3A_9 : vector<16xi32>
      %parallel_loop3A_20 = arith.constant 1 : i32
      %parallel_loop3A_21 = arith.index_cast %parallel_loop3A_20 : i32 to index
      %parallel_loop3A_22 = arith.index_cast %parallel_loop3A_14 : i32 to index
      %parallel_loop3A_23 = tpu.vector_load %arg6[%parallel_loop3A_21, %parallel_loop3A_22] {strides = array<i32>} : memref<2x1024xi32, #tpu.memory_space<vmem>>, vector<16xi32>,
      %parallel_loop3A_24 = arith.muli %parallel_loop3A_23, %broadcast_in_dim3A_9 : vector<16xi32>
      %parallel_loop3A_25 = arith.constant 0 : i32
      %parallel_loop3A_26 = vector.broadcast %parallel_loop3A_25 : i32 to vector<16xi32>
      %parallel_loop3A_27 = arith.addi %parallel_loop3A_19, %parallel_loop3A_26 : vector<16xi32>
      %parallel_loop3A_28 = tpu.vector_load_idx %arg7[%parallel_loop3A_27] : memref<4500xf32, #tpu.memory_space<vmem>>[vector<16xi32>], vector<16xf32>,
      %parallel_loop3A_29 = arith.constant 0 : i32
      %parallel_loop3A_30 = vector.broadcast %parallel_loop3A_29 : i32 to vector<16xi32>
      %parallel_loop3A_31 = arith.addi %parallel_loop3A_24, %parallel_loop3A_30 : vector<16xi32>
      %parallel_loop3A_32 = tpu.vector_load_idx %arg8[%parallel_loop3A_31] : memref<6000xf32, #tpu.memory_space<vmem>>[vector<16xi32>], vector<16xf32>,
      %parallel_loop3A_33 = arith.mulf %parallel_loop3A_28, %parallel_loop3A_32 : vector<16xf32>
      %parallel_loop3A_34 = arith.constant 1 : i32
      %parallel_loop3A_35 = vector.broadcast %parallel_loop3A_34 : i32 to vector<16xi32>
      %parallel_loop3A_36 = arith.addi %parallel_loop3A_19, %parallel_loop3A_35 : vector<16xi32>
      %parallel_loop3A_37 = tpu.vector_load_idx %arg7[%parallel_loop3A_36] : memref<4500xf32, #tpu.memory_space<vmem>>[vector<16xi32>], vector<16xf32>,
      %parallel_loop3A_38 = arith.constant 1 : i32
      %parallel_loop3A_39 = vector.broadcast %parallel_loop3A_38 : i32 to vector<16xi32>
      %parallel_loop3A_40 = arith.addi %parallel_loop3A_24, %parallel_loop3A_39 : vector<16xi32>
      %parallel_loop3A_41 = tpu.vector_load_idx %arg8[%parallel_loop3A_40] : memref<6000xf32, #tpu.memory_space<vmem>>[vector<16xi32>], vector<16xf32>,
      %parallel_loop3A_42 = arith.mulf %parallel_loop3A_37, %parallel_loop3A_41 : vector<16xf32>
      %parallel_loop3A_43 = arith.addf %parallel_loop3A_33, %parallel_loop3A_42 : vector<16xf32>
      %parallel_loop3A_44 = arith.constant 2 : i32
      %parallel_loop3A_45 = vector.broadcast %parallel_loop3A_44 : i32 to vector<16xi32>
      %parallel_loop3A_46 = arith.addi %parallel_loop3A_19, %parallel_loop3A_45 : vector<16xi32>
      %parallel_loop3A_47 = tpu.vector_load_idx %arg7[%parallel_loop3A_46] : memref<4500xf32, #tpu.memory_space<vmem>>[vector<16xi32>], vector<16xf32>,
      %parallel_loop3A_48 = arith.constant 2 : i32
      %parallel_loop3A_49 = vector.broadcast %parallel_loop3A_48 : i32 to vector<16xi32>
      %parallel_loop3A_50 = arith.addi %parallel_loop3A_24, %parallel_loop3A_49 : vector<16xi32>
      %parallel_loop3A_51 = tpu.vector_load_idx %arg8[%parallel_loop3A_50] : memref<6000xf32, #tpu.memory_space<vmem>>[vector<16xi32>], vector<16xf32>,
      %parallel_loop3A_52 = arith.mulf %parallel_loop3A_47, %parallel_loop3A_51 : vector<16xf32>
      %parallel_loop3A_53 = arith.addf %parallel_loop3A_43, %parallel_loop3A_52 : vector<16xf32>
      %parallel_loop3A_54 = arith.index_cast %parallel_loop3A_14 : i32 to index
      %parallel_loop3A_55 = tpu.vector_load %arg9[%parallel_loop3A_54] {strides = array<i32>} : memref<1024xf32, #tpu.memory_space<vmem>>, vector<16xf32>,
      tpu.vector_store %arg9[%parallel_loop3A_54], %parallel_loop3A_53 {strides = array<i32>} : memref<1024xf32, #tpu.memory_space<vmem>>, vector<16xf32>,
    } {sc.loop_unroll_factor = 2 : i64, sc.parallel_access}
    "tpu.region"() ({
      %run_scoped3A = tpu.sem_alloc : memref<!tpu.dma_semaphore, #tpu.memory_space<semaphore_mem>>
      %dma_start3A_12 = tpu.memref_slice %arg5[%mul3A_2] : memref<16384xf32, #tpu.memory_space<hbm>> -> memref<1024xf32, #tpu.memory_space<hbm>>
      %dma_start3A_13 = tpu.memref_slice %arg5[%mul3A_2] : memref<16384xf32, #tpu.memory_space<hbm>> -> memref<1024xf32, #tpu.memory_space<hbm>>
      tpu.enqueue_dma source(%arg9 : memref<1024xf32, #tpu.memory_space<vmem>>) target(%dma_start3A_13 : memref<1024xf32, #tpu.memory_space<hbm>>) target_semaphore(%run_scoped3A : memref<!tpu.dma_semaphore, #tpu.memory_space<semaphore_mem>>)
      %dma_wait3A_14 = tpu.memref_slice %arg5[%mul3A_2] : memref<16384xf32, #tpu.memory_space<hbm>> -> memref<1024xf32, #tpu.memory_space<hbm>>
      %dma_wait3A_15 = tpu.memref_slice %arg5[%mul3A_2] : memref<16384xf32, #tpu.memory_space<hbm>> -> memref<1024xf32, #tpu.memory_space<hbm>>
      tpu.wait_dma2 semaphore(%run_scoped3A : memref<!tpu.dma_semaphore, #tpu.memory_space<semaphore_mem>>) src(%arg9 : memref<1024xf32, #tpu.memory_space<vmem>>) dst(%dma_wait3A_15 : memref<1024xf32, #tpu.memory_space<hbm>>)
      tpu.yield
    }) : () -> ()
    return
  }
}

</mosaic_0001>

<sc_bundles>
// kernel: kernel.3.cloned.1.call-start
scs
__scs_entry_jumppad:
0x0: {  	(pc) =	sbr.rel $0x88, $3  }
0x1: {  	(tag) =	ssettag $0x0;
	lr =	simm.s32 $0x1  }
0x2: {  	[smem:$0x3F9E] =	sst lr;
	_ =	strace $0xD0000000  }
0x3: {  	_ = 	snop  }
0x4: {  	_ = 	snop  }
0x5: {  	_ = 	snop  }
0x6: {  	_ = 	snop  }
0x7: {  	_ = 	snop  }
__scs_overlays_trampoline_lowered:
0x8: {  	[smem:$0x3FAD] =	sst s0  }
0x9: {  	[smem:$0x3FAE] =	sst s1  }
0xa: {  	[smem:$0x3FAF] =	sst s2  }
0xb: {  	[smem:$0x3FB0] =	sst s3  }
0xc: {  	[smem:$0x3FB1] =	sst s4  }
0xd: {  	[smem:$0x3FB2] =	sst s5  }
0xe: {  	[smem:$0x3FB3] =	sst s6  }
0xf: {  	[smem:$0x3FB4] =	sst s7  }
0x10: {  	[smem:$0x3FB5] =	sst s8  }
0x11: {  	[smem:$0x3FB6] =	sst s9;
	s0 =	simm.s32 @!p0 $0x0  }
0x12: {  	s1 =	sld [smem:$0x3F9C];
	s0 =	simm.s32 @p0 $0x1  }
0x13: {  	[smem:$0x3FB7] =	sst s0;
	s0 =	simm.s32 @!p1 $0x0  }
0x14: {  	s2 =	sld [smem:$0x3F9B];
	s0 =	simm.s32 @p1 $0x1  }
0x15: {  	[smem:$0x3FB8] =	sst s0;
	s0 =	simm.s32 @!p2 $0x0  }
0x16: {  	s3 =	sld [smem:$0x3FDB];
	s0 =	simm.s32 @p2 $0x1  }
0x17: {  	s4 =	simm.s32 $0x1BF5;
	[smem:$0x3FBA] =	sst s0  }
0x18: {  	s0 =	sld [smem:$0x3F9D];
	_ =	swait.ge [sflag:s4], $0x0  }
0x19: {  	s7 =	sld [smem:$0x3F9E]  }
0x1a: {  	s8 =	sadd.s32 $0xFFFFE003, lr  }
0x1b: {  	s9 =	sadd.s32 $0xFFFFFEF7, lr;
	s5 =	simm.s32 $0xFFFFFFFF;
	p2 =	slt.u32 s8, $0xFFFFF086  }
0x1c: {  	p1 =	slt.u32 s9, $0xF7A;
	s5 =	simm.s32 @!p2 $0x0  }
0x1d: {  	s5 =	simm.s32 @p1 $0x1;
	p0 =	seq.s32 s7, s2  }
0x1e: {  	s7 =	smul.u32 @!p0 $0xF7A, s2;
	p2 =	seq.s32 @!p0 s5, $0x0  }
0x1f: {  	s9 =	smul.u32 $0xF7A, s1;
	s8 =	simm.s32 @!p0 $0x1BF5;
	p2 =	por !p2, p0  }
0x20: {  	[sflag:s8] =	ssyncset.s32 @!p0 $0xFFFFF086;
	s6 =	sadd.s32 @!p0 s3, s7;
	s7 =	simm.s32 @!p0 $0x108  }
0x21: {  	s3 =	sadd.s32 s3, s9;
	s6 =	sadd.s32 @!p0 $0x88, s6;
	s7 =	simm.s32 @p2 $0x1082  }
0x22: {  	[simem:s7], [sflag:s8] =	dma.local @!p0 [hbm:s6], $0xF7A  }
0x23: {  	s9 =	sor.u32 $0xD0000000, s2;
	s6 =	simm.s32 $0x108;
	_ =	swait.ge @!p0 [sflag:s8], $0x0  }
0x24: {  	s3 =	sadd.s32 $0x88, s3;
	s6 =	simm.s32 @!p1 $0x1082;
	[sflag:s4] =	ssyncset.s32 $0xFFFFF086  }
0x25: {  	[simem:s6], [sflag:s4] =	dma.local [hbm:s3], $0xF7A  }
0x26: {  	[smem:$0x3F9E] =	sst s1;
	(tag) =	ssettag s2;
	_ =	strace s9  }
0x27: {  	s1 =	sld [smem:$0x3FAE]  }
0x28: {  	s2 =	sld [smem:$0x3FAF]  }
0x29: {  	s4 =	sld [smem:$0x3FB1]  }
0x2a: {  	p0 =	seq.s32 s5, $0x0;
	s5 =	sld [smem:$0x3FB2]  }
0x2b: {  	s6 =	sld [smem:$0x3FB3]  }
0x2c: {  	s7 =	sld [smem:$0x3FB4]  }
0x2d: {  	s3 =	simm.s32 $0x108;
	s8 =	sld [smem:$0x3FB5]  }
0x2e: {  	s3 =	simm.s32 @!p0 $0x1082;
	s9 =	sld [smem:$0x3FB6]  }
0x2f: {  	lr =	sadd.s32 s0, s3;
	s0 =	sld [smem:$0x3FAD]  }
0x30: {  	s3 =	sld [smem:$0x3FB0]  }
0x31: {  	[smem:$0x3FB9] =	sst s10  }
0x32: {  	s10 =	sld [smem:$0x3FB7];
	_ =	sdelay $0x3  }
0x33: {  	p0 =	seq.s32 s10, $0x1;
	s10 =	sld [smem:$0x3FB9];
	_ =	sdelay $0x3  }
0x34: {  	[smem:$0x3FB9] =	sst s10  }
0x35: {  	s10 =	sld [smem:$0x3FB8];
	_ =	sdelay $0x3  }
0x36: {  	p1 =	seq.s32 s10, $0x1;
	s10 =	sld [smem:$0x3FB9];
	_ =	sdelay $0x3  }
0x37: {  	[smem:$0x3FB9] =	sst s10  }
0x38: {  	s10 =	sld [smem:$0x3FBA]  }
0x39: {  	_ = 	snop;
	(pc) =	sbr.ind lr, $3  }
0x3a: {  	_ = 	snop  }
0x3b: {  	_ = 	snop  }
0x3c: {  	p2 =	seq.s32 s10, $0x1;
	s10 =	sld [smem:$0x3FB9]  }
0x3d: {  	_ =	shalt  }
0x3e: {  	_ =	shalt  }
0x3f: {  	_ =	shalt  }
0x40: {  	_ =	shalt  }
0x41: {  	_ =	shalt  }
0x42: {  	_ =	shalt  }
0x43: {  	_ =	shalt  }
0x44: {  	_ =	shalt  }
0x45: {  	_ =	shalt  }
0x46: {  	_ =	shalt  }
0x47: {  	_ =	shalt  }
0x48: {  	_ =	shalt  }
0x49: {  	_ =	shalt  }
0x4a: {  	_ =	shalt  }
0x4b: {  	_ =	shalt  }
0x4c: {  	_ =	shalt  }
0x4d: {  	_ =	shalt  }
0x4e: {  	_ =	shalt  }
0x4f: {  	_ =	shalt  }
0x50: {  	_ =	shalt  }
0x51: {  	_ =	shalt  }
0x52: {  	_ =	shalt  }
0x53: {  	_ =	shalt  }
0x54: {  	_ =	shalt  }
0x55: {  	_ =	shalt  }
0x56: {  	_ =	shalt  }
0x57: {  	_ =	shalt  }
0x58: {  	_ =	shalt  }
0x59: {  	_ =	shalt  }
0x5a: {  	_ =	shalt  }
0x5b: {  	_ =	shalt  }
0x5c: {  	_ =	shalt  }
0x5d: {  	_ =	shalt  }
0x5e: {  	_ =	shalt  }
0x5f: {  	_ =	shalt  }
0x60: {  	_ =	shalt  }
0x61: {  	_ =	shalt  }
0x62: {  	_ =	shalt  }
0x63: {  	_ =	shalt  }
0x64: {  	_ =	shalt  }
0x65: {  	_ =	shalt  }
0x66: {  	_ =	shalt  }
0x67: {  	_ =	shalt  }
0x68: {  	_ =	shalt  }
0x69: {  	_ =	shalt  }
0x6a: {  	_ =	shalt  }
0x6b: {  	_ =	shalt  }
0x6c: {  	_ =	shalt  }
0x6d: {  	_ =	shalt  }
0x6e: {  	_ =	shalt  }
0x6f: {  	_ =	shalt  }
0x70: {  	_ =	shalt  }
0x71: {  	_ =	shalt  }
0x72: {  	_ =	shalt  }
0x73: {  	_ =	shalt  }
0x74: {  	_ =	shalt  }
0x75: {  	_ =	shalt  }
0x76: {  	_ =	shalt  }
0x77: {  	_ =	shalt  }
0x78: {  	_ =	shalt  }
0x79: {  	_ =	shalt  }
0x7a: {  	_ =	shalt  }
0x7b: {  	_ =	shalt  }
0x7c: {  	_ =	shalt  }
0x7d: {  	_ =	shalt  }
0x7e: {  	_ =	shalt  }
0x7f: {  	_ =	shalt  }
0x80: {  	_ =	shalt  }
0x81: {  	_ =	shalt  }
0x82: {  	_ =	shalt  }
0x83: {  	_ =	shalt  }
0x84: {  	_ =	shalt  }
0x85: {  	_ =	shalt  }
0x86: {  	_ =	shalt  }
0x87: {  	_ =	shalt  }
.Lfunc_end0:
.L_simem_size_0:
called_computation_lowered:
.L_overlay_start_0:
0x88: {  	s0 =	sld [smem:$0x3FD9]  }
0x89: {  	s1 =	sld [smem:$0x3FFE];
	_ =	sdelay $0x3  }
0x8a: {  	s0 =	sadd.s32 s1, s0  }
0x8b: {  	[smem:$0x3FC5] =	sst s0  }
0x8c: {  	_ = 	snop  }
0x8d: {  	s0 =	sld [smem:$0x3FC9]  }
0x8e: {  	s16 =	sld [smem:$0x3FD0];
	(tm) =	ssettm $0x1  }
0x8f: {  	s2 =	sld [smem:$0x3FFB];
	_ =	sdelay $0x3  }
0x90: {  	_ =	strace s2  }
0x91: {  	s2 =	sld [smem:$0x3FFC];
	_ =	sdelay $0x3  }
0x92: {  	_ =	strace s2  }
0x93: {  	s2 =	sld [smem:$0x3FFD];
	_ =	sdelay $0x3  }
0x94: {  	_ =	strace s2  }
0x95: {  	_ =	strace $0x8FFFFFFF  }
0x96: {  	s17 =	sld [smem:$0x3FDB];
	_ =	sdelay $0x1  }
0x97: {  	s3 =	simm.s32 $_scs_section_size  }
0x98: {  	s4 =	simm.s32 $_size__tile_overlayer_lowered;
	s5 =	simm.s32 $_tile_overlayer_lowered  }
0x99: {  	s20 =	simm.s32 $0x1BFF;
	s19 =	sshll.u32 s5, $0x1;
	s2 =	sadd.s32 s3, s17  }
0x9a: {  	s6 =	simm.s32 $0x0;
	s18 =	sshll.u32 s4, $0x1;
	s4 =	sadd.s32 s19, s2  }
0x9b: {  	[timem:s6], [sflag:s20] =	dma.local [hbm:s4], s18  }
0x9c: {  	_ =	swait.ge [sflag:s20], s18  }
0x9d: {  	s3 =	ssub.s32 $0x0, s18;
	[sflag:s20] =	ssyncset.done $0x0  }
0x9e: {  	[sflag:s20] =	ssyncadd.s32 s3;
	_ =	sdelay $0x1  }
0x9f: {  	s21 =	simm.s32 $0x1B8B  }
0xa0: {  	_ =	swait.ge [sflag:s21], $0x1  }
0xa1: {  	[sflag:s21] =	ssyncset.done $0x0  }
0xa2: {  	s23 =	simm.s32 $0x1B8E;
	s22 =	sld [smem:$0x3FFE];
	[sflag:s21] =	ssyncadd.s32 $0xFFFFFFFF  }
0xa3: {  	s24 =	simm.s32 $execute0_lowered;
	[smem:$0x3FD2] =	sst s23  }
0xa4: {  	s4 =	sshll.u32 s24, $0x1;
	_ =	strace $0x80000046;
	[dreg:$0x1] =	wrdreg $0xFFFFFFFF  }
0xa5: {  	s25 =	simm.s32 $_size_execute0_lowered;
	s2 =	sadd.s32 s2, s4;
	[dreg:$0x0] =	wrdreg $0x0  }
0xa6: {  	s4 =	sshll.u32 s25, $0x1;
	[dreg:$0x2] =	wrdreg s2  }
0xa7: {  	[dreg:$0x3] =	wrdreg s4  }
0xa8: {  	[dreg:$0x4] =	wrdreg $0xC0  }
0xa9: {  	_ =	task [dreg:s6], $0x5FFFF  }
0xaa: {  	[dreg:$0x1] =	wrdreg $0xFFFFFFFF  }
0xab: {  	[dreg:$0x0] =	wrdreg $0x60  }
0xac: {  	[dreg:$0x2] =	wrdreg s0  }
0xad: {  	[dreg:$0x3] =	wrdreg s22  }
0xae: {  	[dreg:$0x4] =	wrdreg s16  }
0xaf: {  	[dreg:$0x5] =	wrdreg $0x9  }
0xb0: {  	_ =	task.clear_ibuf [dreg:s6], $0x6FFFF;
	_ =	strace $0x90000046  }
0xb1: {  	s26 =	simm.s32 $0x9;
	_ =	strace $0x80000048  }
0xb2: {  	_ =	swait.ge [sflag:s26], $0x1  }
0xb3: {  	[sflag:s26] =	ssyncadd.s32 $0xFFFFFFFF  }
0xb4: {  	_ =	strace $0x90000048  }
0xb5: {  	_ =	sfence  }
0xb6: {  	s28 =	sld [smem:$0x0];
	_ =	sdelay $0x1  }
0xb7: {  	s29 =	srdreg.scid  }
0xb8: {  	s30 =	sshll.u32 s29, $0xD;
	s31 =	sshrl.u32 s29, $0x2  }
0xb9: {  	s1 =	sand.u32 $0x1, s29;
	s2 =	sand.u32 $0x4000, s30;
	s0 =	sadd.s32 s31, s28  }
0xba: {  	s1 =	sor.u32 s2, s1;
	s0 =	sshll.u32 s0, $0x11  }
0xbb: {  	s0 =	sor.u32 s0, s1  }
0xbc: {  	s0 =	sadd.s32 $0x8F2B, s0  }
0xbd: {  	[sflag:s0] =	ssyncadd.remote.s32 $0x1  }
0xbe: {  	_ =	sfence.sel $0xFFFF  }
0xbf: {  	[dreg:$0x0] =	wrdreg $0xFFFFFFFF;
	(pc) =	sbr.abs _section_cstart, $3  }
0xc0: {  	[dreg:$0x1] =	wrdreg $0xFFFFFFFF  }
0xc1: {  	_ =	task.clear_ibuf [dreg:s6], $0x2FFFF;
	_ =	strace $0x9FFFFFFF  }
0xc2: {  	(tm) =	ssettm $0x7FFFFFFF  }
0xc3: {  	_ =	shalt  }
tec
execute0_lowered:
.L_overlay_start_1:
0x0: {  	(tag) =	ssettag $0x1  }
0x1: {  	s3 =	rddreg [dreg:$0x0]  }
0x2: {  	s4 =	rddreg [dreg:$0x1]  }
0x3: {  	s2 =	rddreg [dreg:$0x2];
	s9 =	simm.s32 $0x0;
	s1 =	stileid.u32  }
0x4: {  	[smem:$0x7FF] =	sst s9;
	s5 =	sshll.u32 s1, $0x8  }
0x5: {  	s0 =	rddreg [dreg:$0x3];
	_ =	strace $0x80000047;
	s3 =	sadd.s32 s3, s5  }
0x6: {  	[tilespmem:s9], [sflag:$0x1] =	stream.linear.gather [hbm4b:s3+s9], $0x800, $0x38;
	[tilespmem:$0x3580] =	vst v63  }
0x7: {  	s24 =	sadd.s32 $0xA00, s4;
	s3 =	simm.s32 $0x800  }
0x8: {  	[tilespmem:s3], [sflag:$0x1] =	stream.linear.gather [hbm4b:s24+s9], $0x1200, $0x38;
	[tilespmem:$0x3580] =	vst v63  }
0x9: {  	s26 =	simm.s32 $0x1;
	s25 =	sadd.s32 $0x600, s4;
	s4 =	simm.s32 $0x1A00  }
0xa: {  	[tilespmem:s4], [sflag:$0x1] =	stream.linear.gather [hbm4b:s25+s9], $0x1780, $0x38;
	[tilespmem:$0x3580] =	vst v63  }
0xb: {  	_ =	swait.ge [sflag:s26], $0x800  }
0xc: {  	[sflag:s26] =	ssyncset.done $0x0  }
0xd: {  	[sflag:s26] =	ssyncadd.s32 $0xFFFFF800  }
0xe: {  	_ =	swait.ge [sflag:s26], $0x1200  }
0xf: {  	[sflag:s26] =	ssyncset.done $0x0  }
0x10: {  	[sflag:s26] =	ssyncadd.s32 $0xFFFFEE00  }
0x11: {  	s7 =	sand.u32 $0x60, s9;
	_ =	swait.ge [sflag:s26], $0x1780  }
0x12: {  	s8 =	sand.u32 $0x700, s9;
	s11 =	sor.u32 $0x10, s7;
	[sflag:s26] =	ssyncset.done $0x0  }
0x13: {  	s28 =	sor.u32 s11, s8;
	[sflag:s26] =	ssyncadd.s32 $0xFFFFE880  }
0x14: {  	v0 =	vld [tilespmem:s28+$0x0];
	_ =	sdelay $0x1  }
0x15: {  	s6 =	simm.s32 $0x20;
	s7 =	sor.u32 s7, s8;
	v1 =	vld [tilespmem:s28+$0x80]  }
0x16: {  	s30 =	simm.s32 $0x40;
	s29 =	sand.u32 $0x60, s6;
	v2 =	vld [tilespmem:s7+$0x0]  }
0x17: {  	s10 =	sand.u32 $0x700, s30;
	s5 =	sor.u32 $0x10, s29;
	v4 =	vld [tilespmem:s7+$0x80]  }
0x18: {  	s31 =	sor.u32 s5, s10;
	v0 =	vmul.u32 $0x3, v0  }
0x19: {  	s8 =	sor.u32 s29, s10;
	v6 =	vld [tilespmem:s31+$0x0]  }
0x1a: {  	v12 =	vld [tilespmem:s8+$0x0];
	v1 =	vmul.u32 $0x3, v1  }
0x1b: {  	v14 =	vld [tilespmem:s8+$0x80];
	s8 =	simm.s32 $0x40;
	v2 =	vmul.u32 $0x3, v2  }
0x1c: {  	s10 =	simm.s32 $0x80;
	s12 =	sand.u32 $0x60, s8;
	v4 =	vmul.u32 $0x3, v4  }
0x1d: {  	s13 =	sand.u32 $0x700, s10;
	s7 =	sor.u32 $0x10, s12  }
0x1e: {  	s14 =	sor.u32 s7, s13;
	v3 =	vadd.s32 $0x1, v0;
	v7 =	vadd.s32 $0x2, v0;
	v8 =	vld.idx.msk [tilespmem:v0+s3+$0x0], $0xffff;
	v0 =	vadd.s32 $0x2, v1  }
0x1f: {  	v18 =	vld [tilespmem:s14+$0x0];
	v6 =	vmul.u32 $0x3, v6  }
0x20: {  	v5 =	vadd.s32 $0x1, v1;
	v1 =	vld.idx.msk [tilespmem:v1+s4+$0x0], $0xffff  }
0x21: {  	v9 =	vadd.s32 $0x1, v2;
	v13 =	vadd.s32 $0x2, v2;
	v2 =	vld.idx.msk [tilespmem:v2+s3+$0x0], $0xffff  }
0x22: {  	v10 =	vadd.s32 $0x1, v4;
	v15 =	vadd.s32 $0x2, v4;
	v4 =	vld.idx.msk [tilespmem:v4+s4+$0x0], $0xffff  }
0x23: {  	v11 =	vld.idx.msk [tilespmem:v0+s4+$0x0], $0xffff  }
0x24: {  	v0 =	vld [tilespmem:s31+$0x80]  }
0x25: {  	v16 =	vadd.s32 $0x1, v6;
	v19 =	vadd.s32 $0x2, v6;
	v6 =	vld.idx.msk [tilespmem:v6+s3+$0x0], $0xffff  }
0x26: {  	v3 =	vld.idx.msk [tilespmem:v3+s3+$0x0], $0xffff  }
0x27: {  	v5 =	vld.idx.msk [tilespmem:v5+s4+$0x0], $0xffff  }
0x28: {  	v7 =	vld.idx.msk [tilespmem:v7+s3+$0x0], $0xffff  }
0x29: {  	v9 =	vld.idx.msk [tilespmem:v9+s3+$0x0], $0xffff;
	v0 =	vmul.u32 $0x3, v0  }
0x2a: {  	v10 =	vld.idx.msk [tilespmem:v10+s4+$0x0], $0xffff  }
0x2b: {  	v13 =	vld.idx.msk [tilespmem:v13+s3+$0x0], $0xffff;
	v17 =	vadd.s32 $0x1, v0  }
0x2c: {  	v15 =	vld.idx.msk [tilespmem:v15+s4+$0x0], $0xffff  }
0x2d: {  	v16 =	vld.idx.msk [tilespmem:v16+s3+$0x0], $0xffff;
	v20 =	vadd.s32 $0x2, v0  }
0x2e: {  	v12 =	vmul.u32 $0x3, v12;
	v61 =	vld.idx.msk [tilespmem:v19+s3+$0x0], $0xffff;
	v1 =	vmul.f32 v1, v8;
	v2 =	vmul.f32 v4, v2  }
0x2f: {  	v3 =	vmul.f32 v5, v3;
	v8 =	vmul.f32 v10, v9;
	v21 =	vld.idx.msk [tilespmem:v0+s4+$0x0], $0xffff  }
0x30: {  	v5 =	vadd.s32 $0x1, v12;
	v0 =	vmul.u32 $0x3, v14;
	v60 =	vld.idx.msk [tilespmem:v17+s4+$0x0], $0xffff  }
0x31: {  	v9 =	vld [tilespmem:s14+$0x80];
	v1 =	vadd.f32 v3, v1;
	v2 =	vadd.f32 v8, v2  }
0x32: {  	s12 =	sor.u32 s12, s13;
	v3 =	vmul.f32 v11, v7;
	v7 =	vmul.f32 v15, v13;
	v62 =	vld.idx.msk [tilespmem:v20+s4+$0x0], $0xffff;
	v4 =	vadd.s32 $0x1, v0  }
0x33: {  	v10 =	vld [tilespmem:s12+$0x0]  }
0x34: {  	s9 =	sand.u32 $0x380, s9;
	v8 =	vld [tilespmem:s12+$0x80];
	v11 =	vadd.f32 v3, v1;
	v13 =	vadd.f32 v7, v2;
	v3 =	vadd.s32 $0x2, v12  }
0x35: {  	s11 =	sor.u32 s11, s9;
	v1 =	vld.idx.msk [tilespmem:v5+s3+$0x0], $0xffff;
	v2 =	vadd.s32 $0x2, v0;
	v63 =	vmul.f32 v21, v6;
	v14 =	vmul.f32 v60, v16  }
0x36: {  	s9 =	simm.s32 $0x3180;
	v7 =	vmul.u32 $0x3, v18;
	v5 =	vld.idx.msk [tilespmem:v12+s3+$0x0], $0xffff;
	[tilespmem:s11+$0x3180] =	vst v11  }
0x37: {  	s12 =	simm.s32 $0x60;
	s11 =	simm.s32 $0x4;
	[tilespmem:s9+$0x0] =	vst v13;
	v6 =	vmul.u32 $0x3, v9;
	v11 =	vmul.f32 v62, v61;
	v4 =	vld.idx.msk [tilespmem:v4+s4+$0x0], $0xffff;
	v9 =	vadd.f32 v14, v63  }
.LBB2_1:
0x38: {  	s13 =	sand.u32 $0x60, s12;
	v12 =	vmul.u32 $0x3, v10;
	s10 =	sadd.s32 $0x40, s10;
	v10 =	vld.idx.msk [tilespmem:v0+s4+$0x0], $0xffff  }
0x39: {  	s6 =	sand.u32 $0x380, s6;
	s14 =	sand.u32 $0x700, s10;
	s15 =	sor.u32 $0x10, s13;
	v0 =	vmul.u32 $0x3, v8;
	v8 =	vadd.s32 $0x1, v7;
	v13 =	vld.idx.msk [tilespmem:v3+s3+$0x0], $0xffff;
	v9 =	vadd.f32 v11, v9  }
0x3a: {  	v14 =	vadd.s32 $0x1, v6;
	s5 =	sor.u32 s5, s6;
	s13 =	sor.u32 s13, s14;
	s14 =	sor.u32 s15, s14;
	v11 =	vadd.s32 $0x1, v12;
	v3 =	vadd.s32 $0x2, v12;
	v15 =	vld.idx.msk [tilespmem:v2+s4+$0x0], $0xffff  }
0x3b: {  	v18 =	vadd.s32 $0x2, v7;
	s6 =	smov.u32 s8;
	v16 =	vld [tilespmem:s14+$0x0];
	v17 =	vadd.s32 $0x1, v0;
	v2 =	vadd.s32 $0x2, v0;
	[tilespmem:s5+$0x3180] =	vst v9;
	s5 =	smov.u32 s7;
	s7 =	smov.u32 s15  }
0x3c: {  	s8 =	smov.u32 s12;
	v9 =	vadd.s32 $0x2, v6;
	v1 =	vmul.f32 v4, v1;
	v7 =	vld.idx.msk [tilespmem:v7+s3+$0x0], $0xffff  }
0x3d: {  	v4 =	vld.idx.msk [tilespmem:v6+s4+$0x0], $0xffff  }
0x3e: {  	v5 =	vmul.f32 v10, v5;
	v6 =	vld.idx.msk [tilespmem:v8+s3+$0x0], $0xffff  }
0x3f: {  	v14 =	vld.idx.msk [tilespmem:v14+s4+$0x0], $0xffff  }
0x40: {  	s11 =	sadd.s32 $0x2, s11;
	v1 =	vadd.f32 v1, v5;
	v5 =	vmul.f32 v15, v13;
	v18 =	vld.idx.msk [tilespmem:v18+s3+$0x0], $0xffff  }
0x41: {  	p0 =	slt.u32 s11, $0x3E;
	v13 =	vld.idx.msk [tilespmem:v9+s4+$0x0], $0xffff  }
0x42: {  	v1 =	vadd.f32 v5, v1;
	v9 =	vld [tilespmem:s14+$0x80]  }
.Ltmp0:
0x43: {  	s9 =	sadd.s32 $0x20, s9;
	v10 =	vld [tilespmem:s13+$0x0];
	(pc) =	sbr.rel @p0 .LBB2_1-.Ltmp0, $4  }
0x44: {  	v8 =	vld [tilespmem:s13+$0x80];
	[tilespmem:s9+$0x0] =	vst v1  }
0x45: {  	v14 =	vmul.f32 v14, v6;
	v1 =	vld.idx.msk [tilespmem:v11+s3+$0x0], $0xffff;
	v11 =	vmul.f32 v4, v7  }
0x46: {  	v7 =	vmul.u32 $0x3, v16;
	v4 =	vld.idx.msk [tilespmem:v17+s4+$0x0], $0xffff  }
0x47: {  	s12 =	sadd.s32 $0x20, s12;
	v6 =	vmul.u32 $0x3, v9;
	v5 =	vld.idx.msk [tilespmem:v12+s3+$0x0], $0xffff;
	v9 =	vadd.f32 v14, v11;
	v11 =	vmul.f32 v13, v18  }
0x48: {  	_ =	sdelay $0x3  }
0x49: {  	v0 =	vld.idx.msk [tilespmem:v0+s4+$0x0], $0xffff;
	v12 =	vadd.s32 $0x1, v7  }
0x4a: {  	v3 =	vld.idx.msk [tilespmem:v3+s3+$0x0], $0xffff;
	v14 =	vadd.s32 $0x2, v7  }
0x4b: {  	v2 =	vld.idx.msk [tilespmem:v2+s4+$0x0], $0xffff;
	v13 =	vadd.s32 $0x1, v6  }
0x4c: {  	v10 =	vmul.u32 $0x3, v10;
	v53 =	vld.idx.msk [tilespmem:v7+s3+$0x0], $0xffff;
	v15 =	vadd.s32 $0x2, v6  }
0x4d: {  	v54 =	vld.idx.msk [tilespmem:v6+s4+$0x0], $0xffff  }
0x4e: {  	v8 =	vmul.u32 $0x3, v8;
	v16 =	vadd.s32 $0x1, v10;
	v12 =	vld.idx.msk [tilespmem:v12+s3+$0x0], $0xffff  }
0x4f: {  	v14 =	vld.idx.msk [tilespmem:v14+s3+$0x0], $0xffff  }
0x50: {  	v17 =	vadd.s32 $0x1, v8;
	v13 =	vld.idx.msk [tilespmem:v13+s4+$0x0], $0xffff  }
0x51: {  	v18 =	vadd.s32 $0x2, v10;
	v15 =	vld.idx.msk [tilespmem:v15+s4+$0x0], $0xffff  }
0x52: {  	v19 =	vadd.s32 $0x2, v8;
	v10 =	vld.idx.msk [tilespmem:v10+s3+$0x0], $0xffff  }
0x53: {  	v16 =	vld.idx.msk [tilespmem:v16+s3+$0x0], $0xffff  }
0x54: {  	v8 =	vld.idx.msk [tilespmem:v8+s4+$0x0], $0xffff  }
0x55: {  	v17 =	vld.idx.msk [tilespmem:v17+s4+$0x0], $0xffff  }
0x56: {  	v18 =	vld.idx.msk [tilespmem:v18+s3+$0x0], $0xffff  }
0x57: {  	v1 =	vmul.f32 v4, v1;
	v55 =	vld.idx.msk [tilespmem:v19+s4+$0x0], $0xffff  }
0x58: {  	v0 =	vmul.f32 v0, v5;
	v2 =	vmul.f32 v2, v3  }
0x59: {  	v56 =	vmul.f32 v54, v53;
	v57 =	vmul.f32 v13, v12  }
0x5a: {  	v0 =	vadd.f32 v1, v0;
	v59 =	vmul.f32 v8, v10;
	v58 =	vmul.f32 v17, v16  }
0x5b: {  	s24 =	sand.u32 $0x380, s6;
	v60 =	vadd.f32 v11, v9;
	v61 =	vmul.f32 v15, v14;
	v3 =	vadd.f32 v57, v56  }
0x5c: {  	s3 =	sor.u32 s5, s24;
	v0 =	vadd.f32 v2, v0;
	v62 =	vmul.f32 v55, v18;
	v1 =	vadd.f32 v58, v59  }
0x5d: {  	s25 =	sadd.s32 $0x20, s9;
	s26 =	sand.u32 $0x380, s8;
	[tilespmem:s3+$0x3180] =	vst v60;
	v3 =	vadd.f32 v61, v3  }
0x5e: {  	s4 =	sor.u32 s7, s26;
	[tilespmem:s25+$0x0] =	vst v0;
	v63 =	vadd.f32 v62, v1  }
0x5f: {  	s28 =	sshll.u32 s1, $0x7;
	s29 =	simm.s32 $0x0;
	s3 =	sadd.s32 $0x20, s25;
	[tilespmem:s4+$0x3180] =	vst v3  }
0x60: {  	s30 =	simm.s32 $0x3180;
	s31 =	simm.s32 $0x2;
	s2 =	sadd.s32 s2, s28;
	[tilespmem:s3+$0x0] =	vst v63  }
0x61: {  	[hbm4b:s2+s29] =	stream.linear.scatter [tilespmem:s30], [sflag:$0x2], $0x400, $0x38;
	[tilespmem:$0x3580] =	vst v63  }
0x62: {  	_ =	swait.ge [sflag:s31], $0x400  }
0x63: {  	[sflag:s31] =	ssyncset.done $0x0  }
0x64: {  	[sflag:s31] =	ssyncadd.s32 $0xFFFFFC00  }
0x65: {  	_ =	sfence.sel $0x180000  }
0x66: {  	[bflag:$0x0] =	sbarrier.arrive $0xFFFF  }
0x67: {  	p0 =	sne.s32 s1, $0x0;
	_ =	strace $0x90000047  }
0x68: {  	s0 =	sadd.s32 @!p0 $0x100000, s0;
	[bflag:$0x2] =	sbarrier.arrive $0xFFFF  }
0x69: {  	[sflag:s0] =	ssyncadd.tile.s32 @!p0 $0x1;
	_ =	shalt  }
.Lfunc_end2:
_tile_overlayer_lowered:
.L_overlay_start_2:
0x6a: {  	(tag) =	ssettag $0x2  }
0x6b: {  	s0 =	rddreg [dreg:$0x0];
	s2 =	stileid.u32  }
0x6c: {  	s1 =	rddreg [dreg:$0x1];
	p0 =	sne.s32 s2, $0x0  }
0x6d: {  	s3 =	rddreg [dreg:$0x2];
	[bflag:$0x3] =	sbarrier.arrive $0xFFFF;
	s2 =	simm.s32 @!p0 $0x1C02  }
0x6e: {  	[timem:s3], [sflag:s2] =	dma.local @!p0 [hbm:s0], s1  }
0x6f: {  	s0 =	simm.s32 @!p0 $0x2  }
0x70: {  	_ =	swait.ge @!p0 [sflag:s0], s1  }
0x71: {  	s1 =	ssub.s32 @!p0 $0x0, s1;
	[sflag:s0] =	ssyncset.done @!p0 $0x0  }
0x72: {  	[sflag:s0] =	ssyncadd.s32 @!p0 s1  }
0x73: {  	[bflag:$0x3] =	sbarrier.arrive $0xFFFF  }
0x74: {  	_ =	shalt  }

</sc_bundles>
